<compile_context>
chip_gen: v7x
topology: tpu7x:2x2x1
jax: 0.10.2.dev20260603
libtpu: 0.0.44.dev20260713+nightly
codegen_flags: <defaults>
</compile_context>

<pallas_src>
import functools
import jax
import jax.numpy as jnp
from jax import lax
from jax.experimental import pallas as pl
from jax.experimental.pallas import tpu as pltpu
from jax.experimental.pallas import tpu_sc as plsc

BATCH = 16384
NUM_CORES = 2
NUM_SUBCORES = 16
LANES = 16
NUM_WORKERS = NUM_CORES * NUM_SUBCORES
B_PER_W = BATCH // NUM_WORKERS


def _build():
    mesh = plsc.VectorSubcoreMesh(core_axis_name="c", subcore_axis_name="s")

    @functools.partial(
        pl.kernel,
        mesh=mesh,
        compiler_params=pltpu.CompilerParams(needs_layout_passes=False),
        out_type=jax.ShapeDtypeStruct((BATCH,), jnp.float32),
        scratch_types=[
            pltpu.VMEM((B_PER_W,), jnp.int32),
            pltpu.VMEM((B_PER_W,), jnp.int32),
            pltpu.VMEM((B_PER_W,), jnp.float32),
            pltpu.VMEM((B_PER_W,), jnp.float32),
            pltpu.VMEM((LANES,), jnp.float32),
            pltpu.SemaphoreType.DMA,
            pltpu.SemaphoreType.DMA,
            pltpu.SemaphoreType.DMA,
        ],
    )
    def gather_sum(uid_hbm, vid_hbm, bu_hbm, bv_hbm, bg_hbm, out_hbm,
                   uidx_v, vidx_v, u1_v, v1_v, bg_v, sem_u, sem_v, sem_i):
        wid = lax.axis_index("s") * NUM_CORES + lax.axis_index("c")
        base = wid * B_PER_W
        ci = pltpu.async_copy(uid_hbm.at[pl.ds(base, B_PER_W)], uidx_v,
                              sem_i)
        cj = pltpu.async_copy(vid_hbm.at[pl.ds(base, B_PER_W)], vidx_v,
                              sem_i)
        pltpu.sync_copy(bg_hbm, bg_v)
        ci.wait()
        cu = pltpu.async_copy(bu_hbm.at[0].at[uidx_v], u1_v, sem_u)
        cj.wait()
        cv = pltpu.async_copy(bv_hbm.at[0].at[vidx_v], v1_v, sem_v)
        bg = bg_v[...]
        cu.wait()
        cv.wait()
        half = B_PER_W // 2
        for i in range(half // LANES):
            sl = pl.ds(i * LANES, LANES)
            u1_v[sl] = u1_v[sl] + v1_v[sl] + bg
        co = pltpu.async_copy(u1_v.at[pl.ds(0, half)],
                              out_hbm.at[pl.ds(base, half)], sem_i)
        for i in range(half // LANES, B_PER_W // LANES):
            sl = pl.ds(i * LANES, LANES)
            u1_v[sl] = u1_v[sl] + v1_v[sl] + bg
        c2 = pltpu.async_copy(u1_v.at[pl.ds(half, half)],
                              out_hbm.at[pl.ds(base + half, half)], sem_i)
        co.wait()
        c2.wait()

    return gather_sum


_gather_sum = _build()


@jax.jit
def kernel(uid, vid, b_u, b_v, b_g):
    bu = jnp.transpose(b_u)
    bv = jnp.transpose(b_v)
    bg16 = jnp.broadcast_to(b_g.astype(jnp.float32), (LANES,))
    out = _gather_sum(uid.astype(jnp.int32), vid.astype(jnp.int32),
                      bu, bv, bg16)
    return jnp.reshape(out, (-1, 1))

# --- scband reference (transcript-rebuilt; emitter-appended) ---
"""Pipeline reference for scband-linear-layer-88596585382199 (READ-ONLY COPY).

The authoritative reference and input builder live on the scoring server;
editing this copy changes nothing except your own understanding.
"""

import jax, jax.numpy as jnp
import numpy as np

NUM_USER = 1000000
NUM_ITEM = 1000000
BATCH = 16384


def setup_inputs(seed: int = 0) -> dict:
    key = jax.random.key(seed)
    k1, k2, k3, k4, k5 = jax.random.split(key, 5)
    uid = jax.random.randint(k1, (BATCH,), 0, NUM_USER, dtype=jnp.int64 if jax.config.jax_enable_x64 else jnp.int32)
    vid = jax.random.randint(k2, (BATCH,), 0, NUM_ITEM, dtype=jnp.int64 if jax.config.jax_enable_x64 else jnp.int32)
    # Learned parameters (initialized to zeros in the original module; use small
    # random values so the forward output is non-trivial).
    b_u = jax.random.normal(k3, (NUM_USER, 1), dtype=jnp.float32) * 0.01
    b_v = jax.random.normal(k4, (NUM_ITEM, 1), dtype=jnp.float32) * 0.01
    b_g = jax.random.normal(k5, (), dtype=jnp.float32) * 0.01
    return {"uid": uid, "vid": vid, "b_u": b_u, "b_v": b_v, "b_g": b_g}


def reference(uid, vid, b_u, b_v, b_g):
    # K.gather(self.b_u, uid) -> b_u[uid] : [B, 1]
    regression = jnp.take(b_u, uid, axis=0) + jnp.take(b_v, vid, axis=0) + b_g
    regression = jnp.reshape(regression, (-1, 1))
    return regression

if __name__ == "__main__":
    import jax
    _d = setup_inputs()
    print(jax.jit(kernel)(*tuple(_d.values())))

</pallas_src>

<mosaic_0001>
#map = affine_map<(d0, d1) -> (0)>
#map1 = affine_map<(d0, d1) -> (0, 0)>
module attributes {stable_mosaic.version = 14 : i64} {
  func.func @gather_sum(%arg0: i32, %arg1: i32, %arg2: memref<16384xi32, #tpu.memory_space<hbm>>, %arg3: memref<16384xi32, #tpu.memory_space<hbm>>, %arg4: memref<1x1000000xf32, #tpu.memory_space<hbm>>, %arg5: memref<1x1000000xf32, #tpu.memory_space<hbm>>, %arg6: memref<16xf32, #tpu.memory_space<hbm>>, %arg7: memref<16384xf32, #tpu.memory_space<hbm>>, %arg8: memref<512xi32, #tpu.memory_space<vmem>>, %arg9: memref<512xi32, #tpu.memory_space<vmem>>, %arg10: memref<512xf32, #tpu.memory_space<vmem>>, %arg11: memref<512xf32, #tpu.memory_space<vmem>>, %arg12: memref<16xf32, #tpu.memory_space<vmem>>, %arg13: memref<!tpu.dma_semaphore, #tpu.memory_space<semaphore_mem>>, %arg14: memref<!tpu.dma_semaphore, #tpu.memory_space<semaphore_mem>>, %arg15: memref<!tpu.dma_semaphore, #tpu.memory_space<semaphore_mem>>) attributes {dimension_semantics = [#tpu.dimension_semantics<core_parallel>, #tpu.dimension_semantics<subcore_parallel>], iteration_bounds = array<i64: 2, 16>, scalar_prefetch = 0 : i64, scratch_operands = 8 : i64, tpu.core_type = #tpu.core_type<sc_vector_subcore>, window_params = [{transform_indices = #map}, {transform_indices = #map}, {transform_indices = #map1}, {transform_indices = #map1}, {transform_indices = #map}, {transform_indices = #map}]} {
    %mul3A = arith.constant 2 : i32
    %mul3A_0 = arith.muli %arg1, %mul3A : i32
    %add3A = arith.addi %mul3A_0, %arg0 : i32
    %mul3A_1 = arith.constant 512 : i32
    %mul3A_2 = arith.muli %add3A, %mul3A_1 : i32
    %dma_start3A = tpu.memref_slice %arg2[%mul3A_2] : memref<16384xi32, #tpu.memory_space<hbm>> -> memref<512xi32, #tpu.memory_space<hbm>>
    %dma_start3A_3 = tpu.memref_slice %arg2[%mul3A_2] : memref<16384xi32, #tpu.memory_space<hbm>> -> memref<512xi32, #tpu.memory_space<hbm>>
    tpu.enqueue_dma source(%dma_start3A_3 : memref<512xi32, #tpu.memory_space<hbm>>) target(%arg8 : memref<512xi32, #tpu.memory_space<vmem>>) target_semaphore(%arg15 : memref<!tpu.dma_semaphore, #tpu.memory_space<semaphore_mem>>)
    %dma_start3A_4 = tpu.memref_slice %arg3[%mul3A_2] : memref<16384xi32, #tpu.memory_space<hbm>> -> memref<512xi32, #tpu.memory_space<hbm>>
    %dma_start3A_5 = tpu.memref_slice %arg3[%mul3A_2] : memref<16384xi32, #tpu.memory_space<hbm>> -> memref<512xi32, #tpu.memory_space<hbm>>
    tpu.enqueue_dma source(%dma_start3A_5 : memref<512xi32, #tpu.memory_space<hbm>>) target(%arg9 : memref<512xi32, #tpu.memory_space<vmem>>) target_semaphore(%arg15 : memref<!tpu.dma_semaphore, #tpu.memory_space<semaphore_mem>>)
    "tpu.region"() ({
      %run_scoped3A = tpu.sem_alloc : memref<!tpu.dma_semaphore, #tpu.memory_space<semaphore_mem>>
      tpu.enqueue_dma source(%arg6 : memref<16xf32, #tpu.memory_space<hbm>>) target(%arg12 : memref<16xf32, #tpu.memory_space<vmem>>) target_semaphore(%run_scoped3A : memref<!tpu.dma_semaphore, #tpu.memory_space<semaphore_mem>>)
      tpu.wait_dma2 semaphore(%run_scoped3A : memref<!tpu.dma_semaphore, #tpu.memory_space<semaphore_mem>>) src(%arg6 : memref<16xf32, #tpu.memory_space<hbm>>) dst(%arg12 : memref<16xf32, #tpu.memory_space<vmem>>)
      tpu.yield
    }) : () -> ()
    %dma_wait3A = tpu.memref_slice %arg2[%mul3A_2] : memref<16384xi32, #tpu.memory_space<hbm>> -> memref<512xi32, #tpu.memory_space<hbm>>
    %dma_wait3A_6 = tpu.memref_slice %arg2[%mul3A_2] : memref<16384xi32, #tpu.memory_space<hbm>> -> memref<512xi32, #tpu.memory_space<hbm>>
    tpu.wait_dma2 semaphore(%arg15 : memref<!tpu.dma_semaphore, #tpu.memory_space<semaphore_mem>>) src(%dma_wait3A_6 : memref<512xi32, #tpu.memory_space<hbm>>) dst(%arg8 : memref<512xi32, #tpu.memory_space<vmem>>)
    %dma_start3A_7 = arith.constant 0 : i32
    %dma_start3A_8 = arith.constant 0 : i32
    %dma_start3A_9 = tpu.memref_slice %arg4[%dma_start3A_7, %dma_start3A_8] : memref<1x1000000xf32, #tpu.memory_space<hbm>> -> memref<1x1000000xf32, #tpu.memory_space<hbm>>
    %dma_start3A_10 = tpu.memref_squeeze %dma_start3A_9 : memref<1x1000000xf32, #tpu.memory_space<hbm>> -> memref<1000000xf32, #tpu.memory_space<hbm>>
    %dma_start3A_11 = arith.constant 0 : i32
    %dma_start3A_12 = tpu.memref_slice %dma_start3A_10[%dma_start3A_11] : memref<1000000xf32, #tpu.memory_space<hbm>> -> memref<1000000xf32, #tpu.memory_space<hbm>>
    tpu.enqueue_indirect_dma source(%dma_start3A_12 : memref<1000000xf32, #tpu.memory_space<hbm>>) target(%arg10 : memref<512xf32, #tpu.memory_space<vmem>>) offsets(%arg8 : memref<512xi32, #tpu.memory_space<vmem>>) semaphore(%arg13 : memref<!tpu.dma_semaphore, #tpu.memory_space<semaphore_mem>>)
    %dma_wait3A_13 = tpu.memref_slice %arg3[%mul3A_2] : memref<16384xi32, #tpu.memory_space<hbm>> -> memref<512xi32, #tpu.memory_space<hbm>>
    %dma_wait3A_14 = tpu.memref_slice %arg3[%mul3A_2] : memref<16384xi32, #tpu.memory_space<hbm>> -> memref<512xi32, #tpu.memory_space<hbm>>
    tpu.wait_dma2 semaphore(%arg15 : memref<!tpu.dma_semaphore, #tpu.memory_space<semaphore_mem>>) src(%dma_wait3A_14 : memref<512xi32, #tpu.memory_space<hbm>>) dst(%arg9 : memref<512xi32, #tpu.memory_space<vmem>>)
    %dma_start3A_15 = arith.constant 0 : i32
    %dma_start3A_16 = arith.constant 0 : i32
    %dma_start3A_17 = tpu.memref_slice %arg5[%dma_start3A_15, %dma_start3A_16] : memref<1x1000000xf32, #tpu.memory_space<hbm>> -> memref<1x1000000xf32, #tpu.memory_space<hbm>>
    %dma_start3A_18 = tpu.memref_squeeze %dma_start3A_17 : memref<1x1000000xf32, #tpu.memory_space<hbm>> -> memref<1000000xf32, #tpu.memory_space<hbm>>
    %dma_start3A_19 = arith.constant 0 : i32
    %dma_start3A_20 = tpu.memref_slice %dma_start3A_18[%dma_start3A_19] : memref<1000000xf32, #tpu.memory_space<hbm>> -> memref<1000000xf32, #tpu.memory_space<hbm>>
    tpu.enqueue_indirect_dma source(%dma_start3A_20 : memref<1000000xf32, #tpu.memory_space<hbm>>) target(%arg11 : memref<512xf32, #tpu.memory_space<vmem>>) offsets(%arg9 : memref<512xi32, #tpu.memory_space<vmem>>) semaphore(%arg14 : memref<!tpu.dma_semaphore, #tpu.memory_space<semaphore_mem>>)
    %get3A = arith.constant 0 : index
    %get3A_21 = tpu.vector_load %arg12[%get3A] {strides = array<i32>} : memref<16xf32, #tpu.memory_space<vmem>>, vector<16xf32>,
    %dma_wait3A_22 = arith.constant 0 : i32
    %dma_wait3A_23 = arith.constant 0 : i32
    %dma_wait3A_24 = tpu.memref_slice %arg4[%dma_wait3A_22, %dma_wait3A_23] : memref<1x1000000xf32, #tpu.memory_space<hbm>> -> memref<1x1000000xf32, #tpu.memory_space<hbm>>
    %dma_wait3A_25 = tpu.memref_squeeze %dma_wait3A_24 : memref<1x1000000xf32, #tpu.memory_space<hbm>> -> memref<1000000xf32, #tpu.memory_space<hbm>>
    %dma_wait3A_26 = arith.constant 0 : i32
    %dma_wait3A_27 = tpu.memref_slice %dma_wait3A_25[%dma_wait3A_26] : memref<1000000xf32, #tpu.memory_space<hbm>> -> memref<1000000xf32, #tpu.memory_space<hbm>>
    tpu.wait_indirect_dma semaphore(%arg13 : memref<!tpu.dma_semaphore, #tpu.memory_space<semaphore_mem>>) src(%dma_wait3A_27 : memref<1000000xf32, #tpu.memory_space<hbm>>) dst(%arg10 : memref<512xf32, #tpu.memory_space<vmem>>)
    %dma_wait3A_28 = arith.constant 0 : i32
    %dma_wait3A_29 = arith.constant 0 : i32
    %dma_wait3A_30 = tpu.memref_slice %arg5[%dma_wait3A_28, %dma_wait3A_29] : memref<1x1000000xf32, #tpu.memory_space<hbm>> -> memref<1x1000000xf32, #tpu.memory_space<hbm>>
    %dma_wait3A_31 = tpu.memref_squeeze %dma_wait3A_30 : memref<1x1000000xf32, #tpu.memory_space<hbm>> -> memref<1000000xf32, #tpu.memory_space<hbm>>
    %dma_wait3A_32 = arith.constant 0 : i32
    %dma_wait3A_33 = tpu.memref_slice %dma_wait3A_31[%dma_wait3A_32] : memref<1000000xf32, #tpu.memory_space<hbm>> -> memref<1000000xf32, #tpu.memory_space<hbm>>
    tpu.wait_indirect_dma semaphore(%arg14 : memref<!tpu.dma_semaphore, #tpu.memory_space<semaphore_mem>>) src(%dma_wait3A_33 : memref<1000000xf32, #tpu.memory_space<hbm>>) dst(%arg11 : memref<512xf32, #tpu.memory_space<vmem>>)
    %get3A_34 = arith.constant 0 : index
    %get3A_35 = tpu.vector_load %arg10[%get3A_34] {strides = array<i32>} : memref<512xf32, #tpu.memory_space<vmem>>, vector<16xf32>,
    %get3A_36 = arith.constant 0 : index
    %get3A_37 = tpu.vector_load %arg11[%get3A_36] {strides = array<i32>} : memref<512xf32, #tpu.memory_space<vmem>>, vector<16xf32>,
    %add3A_38 = arith.addf %get3A_35, %get3A_37 : vector<16xf32>
    %add3A_39 = arith.addf %add3A_38, %get3A_21 : vector<16xf32>
    %swap3A = arith.constant 0 : index
    %swap3A_40 = tpu.vector_load %arg10[%swap3A] {strides = array<i32>} : memref<512xf32, #tpu.memory_space<vmem>>, vector<16xf32>,
    tpu.vector_store %arg10[%swap3A], %add3A_39 {strides = array<i32>} : memref<512xf32, #tpu.memory_space<vmem>>, vector<16xf32>,
    %get3A_41 = arith.constant 16 : index
    %get3A_42 = tpu.vector_load %arg10[%get3A_41] {strides = array<i32>} : memref<512xf32, #tpu.memory_space<vmem>>, vector<16xf32>,
    %get3A_43 = arith.constant 16 : index
    %get3A_44 = tpu.vector_load %arg11[%get3A_43] {strides = array<i32>} : memref<512xf32, #tpu.memory_space<vmem>>, vector<16xf32>,
    %add3A_45 = arith.addf %get3A_42, %get3A_44 : vector<16xf32>
    %add3A_46 = arith.addf %add3A_45, %get3A_21 : vector<16xf32>
    %swap3A_47 = arith.constant 16 : index
    %swap3A_48 = tpu.vector_load %arg10[%swap3A_47] {strides = array<i32>} : memref<512xf32, #tpu.memory_space<vmem>>, vector<16xf32>,
    tpu.vector_store %arg10[%swap3A_47], %add3A_46 {strides = array<i32>} : memref<512xf32, #tpu.memory_space<vmem>>, vector<16xf32>,
    %get3A_49 = arith.constant 32 : index
    %get3A_50 = tpu.vector_load %arg10[%get3A_49] {strides = array<i32>} : memref<512xf32, #tpu.memory_space<vmem>>, vector<16xf32>,
    %get3A_51 = arith.constant 32 : index
    %get3A_52 = tpu.vector_load %arg11[%get3A_51] {strides = array<i32>} : memref<512xf32, #tpu.memory_space<vmem>>, vector<16xf32>,
    %add3A_53 = arith.addf %get3A_50, %get3A_52 : vector<16xf32>
    %add3A_54 = arith.addf %add3A_53, %get3A_21 : vector<16xf32>
    %swap3A_55 = arith.constant 32 : index
    %swap3A_56 = tpu.vector_load %arg10[%swap3A_55] {strides = array<i32>} : memref<512xf32, #tpu.memory_space<vmem>>, vector<16xf32>,
    tpu.vector_store %arg10[%swap3A_55], %add3A_54 {strides = array<i32>} : memref<512xf32, #tpu.memory_space<vmem>>, vector<16xf32>,
    %get3A_57 = arith.constant 48 : index
    %get3A_58 = tpu.vector_load %arg10[%get3A_57] {strides = array<i32>} : memref<512xf32, #tpu.memory_space<vmem>>, vector<16xf32>,
    %get3A_59 = arith.constant 48 : index
    %get3A_60 = tpu.vector_load %arg11[%get3A_59] {strides = array<i32>} : memref<512xf32, #tpu.memory_space<vmem>>, vector<16xf32>,
    %add3A_61 = arith.addf %get3A_58, %get3A_60 : vector<16xf32>
    %add3A_62 = arith.addf %add3A_61, %get3A_21 : vector<16xf32>
    %swap3A_63 = arith.constant 48 : index
    %swap3A_64 = tpu.vector_load %arg10[%swap3A_63] {strides = array<i32>} : memref<512xf32, #tpu.memory_space<vmem>>, vector<16xf32>,
    tpu.vector_store %arg10[%swap3A_63], %add3A_62 {strides = array<i32>} : memref<512xf32, #tpu.memory_space<vmem>>, vector<16xf32>,
    %get3A_65 = arith.constant 64 : index
    %get3A_66 = tpu.vector_load %arg10[%get3A_65] {strides = array<i32>} : memref<512xf32, #tpu.memory_space<vmem>>, vector<16xf32>,
    %get3A_67 = arith.constant 64 : index
    %get3A_68 = tpu.vector_load %arg11[%get3A_67] {strides = array<i32>} : memref<512xf32, #tpu.memory_space<vmem>>, vector<16xf32>,
    %add3A_69 = arith.addf %get3A_66, %get3A_68 : vector<16xf32>
    %add3A_70 = arith.addf %add3A_69, %get3A_21 : vector<16xf32>
    %swap3A_71 = arith.constant 64 : index
    %swap3A_72 = tpu.vector_load %arg10[%swap3A_71] {strides = array<i32>} : memref<512xf32, #tpu.memory_space<vmem>>, vector<16xf32>,
    tpu.vector_store %arg10[%swap3A_71], %add3A_70 {strides = array<i32>} : memref<512xf32, #tpu.memory_space<vmem>>, vector<16xf32>,
    %get3A_73 = arith.constant 80 : index
    %get3A_74 = tpu.vector_load %arg10[%get3A_73] {strides = array<i32>} : memref<512xf32, #tpu.memory_space<vmem>>, vector<16xf32>,
    %get3A_75 = arith.constant 80 : index
    %get3A_76 = tpu.vector_load %arg11[%get3A_75] {strides = array<i32>} : memref<512xf32, #tpu.memory_space<vmem>>, vector<16xf32>,
    %add3A_77 = arith.addf %get3A_74, %get3A_76 : vector<16xf32>
    %add3A_78 = arith.addf %add3A_77, %get3A_21 : vector<16xf32>
    %swap3A_79 = arith.constant 80 : index
    %swap3A_80 = tpu.vector_load %arg10[%swap3A_79] {strides = array<i32>} : memref<512xf32, #tpu.memory_space<vmem>>, vector<16xf32>,
    tpu.vector_store %arg10[%swap3A_79], %add3A_78 {strides = array<i32>} : memref<512xf32, #tpu.memory_space<vmem>>, vector<16xf32>,
    %get3A_81 = arith.constant 96 : index
    %get3A_82 = tpu.vector_load %arg10[%get3A_81] {strides = array<i32>} : memref<512xf32, #tpu.memory_space<vmem>>, vector<16xf32>,
    %get3A_83 = arith.constant 96 : index
    %get3A_84 = tpu.vector_load %arg11[%get3A_83] {strides = array<i32>} : memref<512xf32, #tpu.memory_space<vmem>>, vector<16xf32>,
    %add3A_85 = arith.addf %get3A_82, %get3A_84 : vector<16xf32>
    %add3A_86 = arith.addf %add3A_85, %get3A_21 : vector<16xf32>
    %swap3A_87 = arith.constant 96 : index
    %swap3A_88 = tpu.vector_load %arg10[%swap3A_87] {strides = array<i32>} : memref<512xf32, #tpu.memory_space<vmem>>, vector<16xf32>,
    tpu.vector_store %arg10[%swap3A_87], %add3A_86 {strides = array<i32>} : memref<512xf32, #tpu.memory_space<vmem>>, vector<16xf32>,
    %get3A_89 = arith.constant 112 : index
    %get3A_90 = tpu.vector_load %arg10[%get3A_89] {strides = array<i32>} : memref<512xf32, #tpu.memory_space<vmem>>, vector<16xf32>,
    %get3A_91 = arith.constant 112 : index
    %get3A_92 = tpu.vector_load %arg11[%get3A_91] {strides = array<i32>} : memref<512xf32, #tpu.memory_space<vmem>>, vector<16xf32>,
    %add3A_93 = arith.addf %get3A_90, %get3A_92 : vector<16xf32>
    %add3A_94 = arith.addf %add3A_93, %get3A_21 : vector<16xf32>
    %swap3A_95 = arith.constant 112 : index
    %swap3A_96 = tpu.vector_load %arg10[%swap3A_95] {strides = array<i32>} : memref<512xf32, #tpu.memory_space<vmem>>, vector<16xf32>,
    tpu.vector_store %arg10[%swap3A_95], %add3A_94 {strides = array<i32>} : memref<512xf32, #tpu.memory_space<vmem>>, vector<16xf32>,
    %get3A_97 = arith.constant 128 : index
    %get3A_98 = tpu.vector_load %arg10[%get3A_97] {strides = array<i32>} : memref<512xf32, #tpu.memory_space<vmem>>, vector<16xf32>,
    %get3A_99 = arith.constant 128 : index
    %get3A_100 = tpu.vector_load %arg11[%get3A_99] {strides = array<i32>} : memref<512xf32, #tpu.memory_space<vmem>>, vector<16xf32>,
    %add3A_101 = arith.addf %get3A_98, %get3A_100 : vector<16xf32>
    %add3A_102 = arith.addf %add3A_101, %get3A_21 : vector<16xf32>
    %swap3A_103 = arith.constant 128 : index
    %swap3A_104 = tpu.vector_load %arg10[%swap3A_103] {strides = array<i32>} : memref<512xf32, #tpu.memory_space<vmem>>, vector<16xf32>,
    tpu.vector_store %arg10[%swap3A_103], %add3A_102 {strides = array<i32>} : memref<512xf32, #tpu.memory_space<vmem>>, vector<16xf32>,
    %get3A_105 = arith.constant 144 : index
    %get3A_106 = tpu.vector_load %arg10[%get3A_105] {strides = array<i32>} : memref<512xf32, #tpu.memory_space<vmem>>, vector<16xf32>,
    %get3A_107 = arith.constant 144 : index
    %get3A_108 = tpu.vector_load %arg11[%get3A_107] {strides = array<i32>} : memref<512xf32, #tpu.memory_space<vmem>>, vector<16xf32>,
    %add3A_109 = arith.addf %get3A_106, %get3A_108 : vector<16xf32>
    %add3A_110 = arith.addf %add3A_109, %get3A_21 : vector<16xf32>
    %swap3A_111 = arith.constant 144 : index
    %swap3A_112 = tpu.vector_load %arg10[%swap3A_111] {strides = array<i32>} : memref<512xf32, #tpu.memory_space<vmem>>, vector<16xf32>,
    tpu.vector_store %arg10[%swap3A_111], %add3A_110 {strides = array<i32>} : memref<512xf32, #tpu.memory_space<vmem>>, vector<16xf32>,
    %get3A_113 = arith.constant 160 : index
    %get3A_114 = tpu.vector_load %arg10[%get3A_113] {strides = array<i32>} : memref<512xf32, #tpu.memory_space<vmem>>, vector<16xf32>,
    %get3A_115 = arith.constant 160 : index
    %get3A_116 = tpu.vector_load %arg11[%get3A_115] {strides = array<i32>} : memref<512xf32, #tpu.memory_space<vmem>>, vector<16xf32>,
    %add3A_117 = arith.addf %get3A_114, %get3A_116 : vector<16xf32>
    %add3A_118 = arith.addf %add3A_117, %get3A_21 : vector<16xf32>
    %swap3A_119 = arith.constant 160 : index
    %swap3A_120 = tpu.vector_load %arg10[%swap3A_119] {strides = array<i32>} : memref<512xf32, #tpu.memory_space<vmem>>, vector<16xf32>,
    tpu.vector_store %arg10[%swap3A_119], %add3A_118 {strides = array<i32>} : memref<512xf32, #tpu.memory_space<vmem>>, vector<16xf32>,
    %get3A_121 = arith.constant 176 : index
    %get3A_122 = tpu.vector_load %arg10[%get3A_121] {strides = array<i32>} : memref<512xf32, #tpu.memory_space<vmem>>, vector<16xf32>,
    %get3A_123 = arith.constant 176 : index
    %get3A_124 = tpu.vector_load %arg11[%get3A_123] {strides = array<i32>} : memref<512xf32, #tpu.memory_space<vmem>>, vector<16xf32>,
    %add3A_125 = arith.addf %get3A_122, %get3A_124 : vector<16xf32>
    %add3A_126 = arith.addf %add3A_125, %get3A_21 : vector<16xf32>
    %swap3A_127 = arith.constant 176 : index
    %swap3A_128 = tpu.vector_load %arg10[%swap3A_127] {strides = array<i32>} : memref<512xf32, #tpu.memory_space<vmem>>, vector<16xf32>,
    tpu.vector_store %arg10[%swap3A_127], %add3A_126 {strides = array<i32>} : memref<512xf32, #tpu.memory_space<vmem>>, vector<16xf32>,
    %get3A_129 = arith.constant 192 : index
    %get3A_130 = tpu.vector_load %arg10[%get3A_129] {strides = array<i32>} : memref<512xf32, #tpu.memory_space<vmem>>, vector<16xf32>,
    %get3A_131 = arith.constant 192 : index
    %get3A_132 = tpu.vector_load %arg11[%get3A_131] {strides = array<i32>} : memref<512xf32, #tpu.memory_space<vmem>>, vector<16xf32>,
    %add3A_133 = arith.addf %get3A_130, %get3A_132 : vector<16xf32>
    %add3A_134 = arith.addf %add3A_133, %get3A_21 : vector<16xf32>
    %swap3A_135 = arith.constant 192 : index
    %swap3A_136 = tpu.vector_load %arg10[%swap3A_135] {strides = array<i32>} : memref<512xf32, #tpu.memory_space<vmem>>, vector<16xf32>,
    tpu.vector_store %arg10[%swap3A_135], %add3A_134 {strides = array<i32>} : memref<512xf32, #tpu.memory_space<vmem>>, vector<16xf32>,
    %get3A_137 = arith.constant 208 : index
    %get3A_138 = tpu.vector_load %arg10[%get3A_137] {strides = array<i32>} : memref<512xf32, #tpu.memory_space<vmem>>, vector<16xf32>,
    %get3A_139 = arith.constant 208 : index
    %get3A_140 = tpu.vector_load %arg11[%get3A_139] {strides = array<i32>} : memref<512xf32, #tpu.memory_space<vmem>>, vector<16xf32>,
    %add3A_141 = arith.addf %get3A_138, %get3A_140 : vector<16xf32>
    %add3A_142 = arith.addf %add3A_141, %get3A_21 : vector<16xf32>
    %swap3A_143 = arith.constant 208 : index
    %swap3A_144 = tpu.vector_load %arg10[%swap3A_143] {strides = array<i32>} : memref<512xf32, #tpu.memory_space<vmem>>, vector<16xf32>,
    tpu.vector_store %arg10[%swap3A_143], %add3A_142 {strides = array<i32>} : memref<512xf32, #tpu.memory_space<vmem>>, vector<16xf32>,
    %get3A_145 = arith.constant 224 : index
    %get3A_146 = tpu.vector_load %arg10[%get3A_145] {strides = array<i32>} : memref<512xf32, #tpu.memory_space<vmem>>, vector<16xf32>,
    %get3A_147 = arith.constant 224 : index
    %get3A_148 = tpu.vector_load %arg11[%get3A_147] {strides = array<i32>} : memref<512xf32, #tpu.memory_space<vmem>>, vector<16xf32>,
    %add3A_149 = arith.addf %get3A_146, %get3A_148 : vector<16xf32>
    %add3A_150 = arith.addf %add3A_149, %get3A_21 : vector<16xf32>
    %swap3A_151 = arith.constant 224 : index
    %swap3A_152 = tpu.vector_load %arg10[%swap3A_151] {strides = array<i32>} : memref<512xf32, #tpu.memory_space<vmem>>, vector<16xf32>,
    tpu.vector_store %arg10[%swap3A_151], %add3A_150 {strides = array<i32>} : memref<512xf32, #tpu.memory_space<vmem>>, vector<16xf32>,
    %get3A_153 = arith.constant 240 : index
    %get3A_154 = tpu.vector_load %arg10[%get3A_153] {strides = array<i32>} : memref<512xf32, #tpu.memory_space<vmem>>, vector<16xf32>,
    %get3A_155 = arith.constant 240 : index
    %get3A_156 = tpu.vector_load %arg11[%get3A_155] {strides = array<i32>} : memref<512xf32, #tpu.memory_space<vmem>>, vector<16xf32>,
    %add3A_157 = arith.addf %get3A_154, %get3A_156 : vector<16xf32>
    %add3A_158 = arith.addf %add3A_157, %get3A_21 : vector<16xf32>
    %swap3A_159 = arith.constant 240 : index
    %swap3A_160 = tpu.vector_load %arg10[%swap3A_159] {strides = array<i32>} : memref<512xf32, #tpu.memory_space<vmem>>, vector<16xf32>,
    tpu.vector_store %arg10[%swap3A_159], %add3A_158 {strides = array<i32>} : memref<512xf32, #tpu.memory_space<vmem>>, vector<16xf32>,
    %dma_start3A_161 = arith.constant 0 : i32
    %dma_start3A_162 = tpu.memref_slice %arg10[%dma_start3A_161] : memref<512xf32, #tpu.memory_space<vmem>> -> memref<256xf32, #tpu.memory_space<vmem>>
    %dma_start3A_163 = tpu.memref_slice %arg7[%mul3A_2] : memref<16384xf32, #tpu.memory_space<hbm>> -> memref<256xf32, #tpu.memory_space<hbm>>
    %dma_start3A_164 = tpu.memref_slice %arg7[%mul3A_2] : memref<16384xf32, #tpu.memory_space<hbm>> -> memref<256xf32, #tpu.memory_space<hbm>>
    %dma_start3A_165 = arith.constant 0 : i32
    %dma_start3A_166 = tpu.memref_slice %arg10[%dma_start3A_165] : memref<512xf32, #tpu.memory_space<vmem>> -> memref<256xf32, #tpu.memory_space<vmem>>
    tpu.enqueue_dma source(%dma_start3A_166 : memref<256xf32, #tpu.memory_space<vmem>>) target(%dma_start3A_164 : memref<256xf32, #tpu.memory_space<hbm>>) target_semaphore(%arg15 : memref<!tpu.dma_semaphore, #tpu.memory_space<semaphore_mem>>)
    %get3A_167 = arith.constant 256 : index
    %get3A_168 = tpu.vector_load %arg10[%get3A_167] {strides = array<i32>} : memref<512xf32, #tpu.memory_space<vmem>>, vector<16xf32>,
    %get3A_169 = arith.constant 256 : index
    %get3A_170 = tpu.vector_load %arg11[%get3A_169] {strides = array<i32>} : memref<512xf32, #tpu.memory_space<vmem>>, vector<16xf32>,
    %add3A_171 = arith.addf %get3A_168, %get3A_170 : vector<16xf32>
    %add3A_172 = arith.addf %add3A_171, %get3A_21 : vector<16xf32>
    %swap3A_173 = arith.constant 256 : index
    %swap3A_174 = tpu.vector_load %arg10[%swap3A_173] {strides = array<i32>} : memref<512xf32, #tpu.memory_space<vmem>>, vector<16xf32>,
    tpu.vector_store %arg10[%swap3A_173], %add3A_172 {strides = array<i32>} : memref<512xf32, #tpu.memory_space<vmem>>, vector<16xf32>,
    %get3A_175 = arith.constant 272 : index
    %get3A_176 = tpu.vector_load %arg10[%get3A_175] {strides = array<i32>} : memref<512xf32, #tpu.memory_space<vmem>>, vector<16xf32>,
    %get3A_177 = arith.constant 272 : index
    %get3A_178 = tpu.vector_load %arg11[%get3A_177] {strides = array<i32>} : memref<512xf32, #tpu.memory_space<vmem>>, vector<16xf32>,
    %add3A_179 = arith.addf %get3A_176, %get3A_178 : vector<16xf32>
    %add3A_180 = arith.addf %add3A_179, %get3A_21 : vector<16xf32>
    %swap3A_181 = arith.constant 272 : index
    %swap3A_182 = tpu.vector_load %arg10[%swap3A_181] {strides = array<i32>} : memref<512xf32, #tpu.memory_space<vmem>>, vector<16xf32>,
    tpu.vector_store %arg10[%swap3A_181], %add3A_180 {strides = array<i32>} : memref<512xf32, #tpu.memory_space<vmem>>, vector<16xf32>,
    %get3A_183 = arith.constant 288 : index
    %get3A_184 = tpu.vector_load %arg10[%get3A_183] {strides = array<i32>} : memref<512xf32, #tpu.memory_space<vmem>>, vector<16xf32>,
    %get3A_185 = arith.constant 288 : index
    %get3A_186 = tpu.vector_load %arg11[%get3A_185] {strides = array<i32>} : memref<512xf32, #tpu.memory_space<vmem>>, vector<16xf32>,
    %add3A_187 = arith.addf %get3A_184, %get3A_186 : vector<16xf32>
    %add3A_188 = arith.addf %add3A_187, %get3A_21 : vector<16xf32>
    %swap3A_189 = arith.constant 288 : index
    %swap3A_190 = tpu.vector_load %arg10[%swap3A_189] {strides = array<i32>} : memref<512xf32, #tpu.memory_space<vmem>>, vector<16xf32>,
    tpu.vector_store %arg10[%swap3A_189], %add3A_188 {strides = array<i32>} : memref<512xf32, #tpu.memory_space<vmem>>, vector<16xf32>,
    %get3A_191 = arith.constant 304 : index
    %get3A_192 = tpu.vector_load %arg10[%get3A_191] {strides = array<i32>} : memref<512xf32, #tpu.memory_space<vmem>>, vector<16xf32>,
    %get3A_193 = arith.constant 304 : index
    %get3A_194 = tpu.vector_load %arg11[%get3A_193] {strides = array<i32>} : memref<512xf32, #tpu.memory_space<vmem>>, vector<16xf32>,
    %add3A_195 = arith.addf %get3A_192, %get3A_194 : vector<16xf32>
    %add3A_196 = arith.addf %add3A_195, %get3A_21 : vector<16xf32>
    %swap3A_197 = arith.constant 304 : index
    %swap3A_198 = tpu.vector_load %arg10[%swap3A_197] {strides = array<i32>} : memref<512xf32, #tpu.memory_space<vmem>>, vector<16xf32>,
    tpu.vector_store %arg10[%swap3A_197], %add3A_196 {strides = array<i32>} : memref<512xf32, #tpu.memory_space<vmem>>, vector<16xf32>,
    %get3A_199 = arith.constant 320 : index
    %get3A_200 = tpu.vector_load %arg10[%get3A_199] {strides = array<i32>} : memref<512xf32, #tpu.memory_space<vmem>>, vector<16xf32>,
    %get3A_201 = arith.constant 320 : index
    %get3A_202 = tpu.vector_load %arg11[%get3A_201] {strides = array<i32>} : memref<512xf32, #tpu.memory_space<vmem>>, vector<16xf32>,
    %add3A_203 = arith.addf %get3A_200, %get3A_202 : vector<16xf32>
    %add3A_204 = arith.addf %add3A_203, %get3A_21 : vector<16xf32>
    %swap3A_205 = arith.constant 320 : index
    %swap3A_206 = tpu.vector_load %arg10[%swap3A_205] {strides = array<i32>} : memref<512xf32, #tpu.memory_space<vmem>>, vector<16xf32>,
    tpu.vector_store %arg10[%swap3A_205], %add3A_204 {strides = array<i32>} : memref<512xf32, #tpu.memory_space<vmem>>, vector<16xf32>,
    %get3A_207 = arith.constant 336 : index
    %get3A_208 = tpu.vector_load %arg10[%get3A_207] {strides = array<i32>} : memref<512xf32, #tpu.memory_space<vmem>>, vector<16xf32>,
    %get3A_209 = arith.constant 336 : index
    %get3A_210 = tpu.vector_load %arg11[%get3A_209] {strides = array<i32>} : memref<512xf32, #tpu.memory_space<vmem>>, vector<16xf32>,
    %add3A_211 = arith.addf %get3A_208, %get3A_210 : vector<16xf32>
    %add3A_212 = arith.addf %add3A_211, %get3A_21 : vector<16xf32>
    %swap3A_213 = arith.constant 336 : index
    %swap3A_214 = tpu.vector_load %arg10[%swap3A_213] {strides = array<i32>} : memref<512xf32, #tpu.memory_space<vmem>>, vector<16xf32>,
    tpu.vector_store %arg10[%swap3A_213], %add3A_212 {strides = array<i32>} : memref<512xf32, #tpu.memory_space<vmem>>, vector<16xf32>,
    %get3A_215 = arith.constant 352 : index
    %get3A_216 = tpu.vector_load %arg10[%get3A_215] {strides = array<i32>} : memref<512xf32, #tpu.memory_space<vmem>>, vector<16xf32>,
    %get3A_217 = arith.constant 352 : index
    %get3A_218 = tpu.vector_load %arg11[%get3A_217] {strides = array<i32>} : memref<512xf32, #tpu.memory_space<vmem>>, vector<16xf32>,
    %add3A_219 = arith.addf %get3A_216, %get3A_218 : vector<16xf32>
    %add3A_220 = arith.addf %add3A_219, %get3A_21 : vector<16xf32>
    %swap3A_221 = arith.constant 352 : index
    %swap3A_222 = tpu.vector_load %arg10[%swap3A_221] {strides = array<i32>} : memref<512xf32, #tpu.memory_space<vmem>>, vector<16xf32>,
    tpu.vector_store %arg10[%swap3A_221], %add3A_220 {strides = array<i32>} : memref<512xf32, #tpu.memory_space<vmem>>, vector<16xf32>,
    %get3A_223 = arith.constant 368 : index
    %get3A_224 = tpu.vector_load %arg10[%get3A_223] {strides = array<i32>} : memref<512xf32, #tpu.memory_space<vmem>>, vector<16xf32>,
    %get3A_225 = arith.constant 368 : index
    %get3A_226 = tpu.vector_load %arg11[%get3A_225] {strides = array<i32>} : memref<512xf32, #tpu.memory_space<vmem>>, vector<16xf32>,
    %add3A_227 = arith.addf %get3A_224, %get3A_226 : vector<16xf32>
    %add3A_228 = arith.addf %add3A_227, %get3A_21 : vector<16xf32>
    %swap3A_229 = arith.constant 368 : index
    %swap3A_230 = tpu.vector_load %arg10[%swap3A_229] {strides = array<i32>} : memref<512xf32, #tpu.memory_space<vmem>>, vector<16xf32>,
    tpu.vector_store %arg10[%swap3A_229], %add3A_228 {strides = array<i32>} : memref<512xf32, #tpu.memory_space<vmem>>, vector<16xf32>,
    %get3A_231 = arith.constant 384 : index
    %get3A_232 = tpu.vector_load %arg10[%get3A_231] {strides = array<i32>} : memref<512xf32, #tpu.memory_space<vmem>>, vector<16xf32>,
    %get3A_233 = arith.constant 384 : index
    %get3A_234 = tpu.vector_load %arg11[%get3A_233] {strides = array<i32>} : memref<512xf32, #tpu.memory_space<vmem>>, vector<16xf32>,
    %add3A_235 = arith.addf %get3A_232, %get3A_234 : vector<16xf32>
    %add3A_236 = arith.addf %add3A_235, %get3A_21 : vector<16xf32>
    %swap3A_237 = arith.constant 384 : index
    %swap3A_238 = tpu.vector_load %arg10[%swap3A_237] {strides = array<i32>} : memref<512xf32, #tpu.memory_space<vmem>>, vector<16xf32>,
    tpu.vector_store %arg10[%swap3A_237], %add3A_236 {strides = array<i32>} : memref<512xf32, #tpu.memory_space<vmem>>, vector<16xf32>,
    %get3A_239 = arith.constant 400 : index
    %get3A_240 = tpu.vector_load %arg10[%get3A_239] {strides = array<i32>} : memref<512xf32, #tpu.memory_space<vmem>>, vector<16xf32>,
    %get3A_241 = arith.constant 400 : index
    %get3A_242 = tpu.vector_load %arg11[%get3A_241] {strides = array<i32>} : memref<512xf32, #tpu.memory_space<vmem>>, vector<16xf32>,
    %add3A_243 = arith.addf %get3A_240, %get3A_242 : vector<16xf32>
    %add3A_244 = arith.addf %add3A_243, %get3A_21 : vector<16xf32>
    %swap3A_245 = arith.constant 400 : index
    %swap3A_246 = tpu.vector_load %arg10[%swap3A_245] {strides = array<i32>} : memref<512xf32, #tpu.memory_space<vmem>>, vector<16xf32>,
    tpu.vector_store %arg10[%swap3A_245], %add3A_244 {strides = array<i32>} : memref<512xf32, #tpu.memory_space<vmem>>, vector<16xf32>,
    %get3A_247 = arith.constant 416 : index
    %get3A_248 = tpu.vector_load %arg10[%get3A_247] {strides = array<i32>} : memref<512xf32, #tpu.memory_space<vmem>>, vector<16xf32>,
    %get3A_249 = arith.constant 416 : index
    %get3A_250 = tpu.vector_load %arg11[%get3A_249] {strides = array<i32>} : memref<512xf32, #tpu.memory_space<vmem>>, vector<16xf32>,
    %add3A_251 = arith.addf %get3A_248, %get3A_250 : vector<16xf32>
    %add3A_252 = arith.addf %add3A_251, %get3A_21 : vector<16xf32>
    %swap3A_253 = arith.constant 416 : index
    %swap3A_254 = tpu.vector_load %arg10[%swap3A_253] {strides = array<i32>} : memref<512xf32, #tpu.memory_space<vmem>>, vector<16xf32>,
    tpu.vector_store %arg10[%swap3A_253], %add3A_252 {strides = array<i32>} : memref<512xf32, #tpu.memory_space<vmem>>, vector<16xf32>,
    %get3A_255 = arith.constant 432 : index
    %get3A_256 = tpu.vector_load %arg10[%get3A_255] {strides = array<i32>} : memref<512xf32, #tpu.memory_space<vmem>>, vector<16xf32>,
    %get3A_257 = arith.constant 432 : index
    %get3A_258 = tpu.vector_load %arg11[%get3A_257] {strides = array<i32>} : memref<512xf32, #tpu.memory_space<vmem>>, vector<16xf32>,
    %add3A_259 = arith.addf %get3A_256, %get3A_258 : vector<16xf32>
    %add3A_260 = arith.addf %add3A_259, %get3A_21 : vector<16xf32>
    %swap3A_261 = arith.constant 432 : index
    %swap3A_262 = tpu.vector_load %arg10[%swap3A_261] {strides = array<i32>} : memref<512xf32, #tpu.memory_space<vmem>>, vector<16xf32>,
    tpu.vector_store %arg10[%swap3A_261], %add3A_260 {strides = array<i32>} : memref<512xf32, #tpu.memory_space<vmem>>, vector<16xf32>,
    %get3A_263 = arith.constant 448 : index
    %get3A_264 = tpu.vector_load %arg10[%get3A_263] {strides = array<i32>} : memref<512xf32, #tpu.memory_space<vmem>>, vector<16xf32>,
    %get3A_265 = arith.constant 448 : index
    %get3A_266 = tpu.vector_load %arg11[%get3A_265] {strides = array<i32>} : memref<512xf32, #tpu.memory_space<vmem>>, vector<16xf32>,
    %add3A_267 = arith.addf %get3A_264, %get3A_266 : vector<16xf32>
    %add3A_268 = arith.addf %add3A_267, %get3A_21 : vector<16xf32>
    %swap3A_269 = arith.constant 448 : index
    %swap3A_270 = tpu.vector_load %arg10[%swap3A_269] {strides = array<i32>} : memref<512xf32, #tpu.memory_space<vmem>>, vector<16xf32>,
    tpu.vector_store %arg10[%swap3A_269], %add3A_268 {strides = array<i32>} : memref<512xf32, #tpu.memory_space<vmem>>, vector<16xf32>,
    %get3A_271 = arith.constant 464 : index
    %get3A_272 = tpu.vector_load %arg10[%get3A_271] {strides = array<i32>} : memref<512xf32, #tpu.memory_space<vmem>>, vector<16xf32>,
    %get3A_273 = arith.constant 464 : index
    %get3A_274 = tpu.vector_load %arg11[%get3A_273] {strides = array<i32>} : memref<512xf32, #tpu.memory_space<vmem>>, vector<16xf32>,
    %add3A_275 = arith.addf %get3A_272, %get3A_274 : vector<16xf32>
    %add3A_276 = arith.addf %add3A_275, %get3A_21 : vector<16xf32>
    %swap3A_277 = arith.constant 464 : index
    %swap3A_278 = tpu.vector_load %arg10[%swap3A_277] {strides = array<i32>} : memref<512xf32, #tpu.memory_space<vmem>>, vector<16xf32>,
    tpu.vector_store %arg10[%swap3A_277], %add3A_276 {strides = array<i32>} : memref<512xf32, #tpu.memory_space<vmem>>, vector<16xf32>,
    %get3A_279 = arith.constant 480 : index
    %get3A_280 = tpu.vector_load %arg10[%get3A_279] {strides = array<i32>} : memref<512xf32, #tpu.memory_space<vmem>>, vector<16xf32>,
    %get3A_281 = arith.constant 480 : index
    %get3A_282 = tpu.vector_load %arg11[%get3A_281] {strides = array<i32>} : memref<512xf32, #tpu.memory_space<vmem>>, vector<16xf32>,
    %add3A_283 = arith.addf %get3A_280, %get3A_282 : vector<16xf32>
    %add3A_284 = arith.addf %add3A_283, %get3A_21 : vector<16xf32>
    %swap3A_285 = arith.constant 480 : index
    %swap3A_286 = tpu.vector_load %arg10[%swap3A_285] {strides = array<i32>} : memref<512xf32, #tpu.memory_space<vmem>>, vector<16xf32>,
    tpu.vector_store %arg10[%swap3A_285], %add3A_284 {strides = array<i32>} : memref<512xf32, #tpu.memory_space<vmem>>, vector<16xf32>,
    %get3A_287 = arith.constant 496 : index
    %get3A_288 = tpu.vector_load %arg10[%get3A_287] {strides = array<i32>} : memref<512xf32, #tpu.memory_space<vmem>>, vector<16xf32>,
    %get3A_289 = arith.constant 496 : index
    %get3A_290 = tpu.vector_load %arg11[%get3A_289] {strides = array<i32>} : memref<512xf32, #tpu.memory_space<vmem>>, vector<16xf32>,
    %add3A_291 = arith.addf %get3A_288, %get3A_290 : vector<16xf32>
    %add3A_292 = arith.addf %add3A_291, %get3A_21 : vector<16xf32>
    %swap3A_293 = arith.constant 496 : index
    %swap3A_294 = tpu.vector_load %arg10[%swap3A_293] {strides = array<i32>} : memref<512xf32, #tpu.memory_space<vmem>>, vector<16xf32>,
    tpu.vector_store %arg10[%swap3A_293], %add3A_292 {strides = array<i32>} : memref<512xf32, #tpu.memory_space<vmem>>, vector<16xf32>,
    %add3A_295 = arith.constant 256 : i32
    %add3A_296 = arith.addi %mul3A_2, %add3A_295 : i32
    %dma_start3A_297 = arith.constant 256 : i32
    %dma_start3A_298 = tpu.memref_slice %arg10[%dma_start3A_297] : memref<512xf32, #tpu.memory_space<vmem>> -> memref<256xf32, #tpu.memory_space<vmem>>
    %dma_start3A_299 = tpu.memref_slice %arg7[%add3A_296] : memref<16384xf32, #tpu.memory_space<hbm>> -> memref<256xf32, #tpu.memory_space<hbm>>
    %dma_start3A_300 = tpu.memref_slice %arg7[%add3A_296] : memref<16384xf32, #tpu.memory_space<hbm>> -> memref<256xf32, #tpu.memory_space<hbm>>
    %dma_start3A_301 = arith.constant 256 : i32
    %dma_start3A_302 = tpu.memref_slice %arg10[%dma_start3A_301] : memref<512xf32, #tpu.memory_space<vmem>> -> memref<256xf32, #tpu.memory_space<vmem>>
    tpu.enqueue_dma source(%dma_start3A_302 : memref<256xf32, #tpu.memory_space<vmem>>) target(%dma_start3A_300 : memref<256xf32, #tpu.memory_space<hbm>>) target_semaphore(%arg15 : memref<!tpu.dma_semaphore, #tpu.memory_space<semaphore_mem>>)
    %dma_wait3A_303 = arith.constant 0 : i32
    %dma_wait3A_304 = tpu.memref_slice %arg10[%dma_wait3A_303] : memref<512xf32, #tpu.memory_space<vmem>> -> memref<256xf32, #tpu.memory_space<vmem>>
    %dma_wait3A_305 = tpu.memref_slice %arg7[%mul3A_2] : memref<16384xf32, #tpu.memory_space<hbm>> -> memref<256xf32, #tpu.memory_space<hbm>>
    %dma_wait3A_306 = tpu.memref_slice %arg7[%mul3A_2] : memref<16384xf32, #tpu.memory_space<hbm>> -> memref<256xf32, #tpu.memory_space<hbm>>
    %dma_wait3A_307 = arith.constant 0 : i32
    %dma_wait3A_308 = tpu.memref_slice %arg10[%dma_wait3A_307] : memref<512xf32, #tpu.memory_space<vmem>> -> memref<256xf32, #tpu.memory_space<vmem>>
    tpu.wait_dma2 semaphore(%arg15 : memref<!tpu.dma_semaphore, #tpu.memory_space<semaphore_mem>>) src(%dma_wait3A_308 : memref<256xf32, #tpu.memory_space<vmem>>) dst(%dma_wait3A_306 : memref<256xf32, #tpu.memory_space<hbm>>)
    %dma_wait3A_309 = arith.constant 256 : i32
    %dma_wait3A_310 = tpu.memref_slice %arg10[%dma_wait3A_309] : memref<512xf32, #tpu.memory_space<vmem>> -> memref<256xf32, #tpu.memory_space<vmem>>
    %dma_wait3A_311 = tpu.memref_slice %arg7[%add3A_296] : memref<16384xf32, #tpu.memory_space<hbm>> -> memref<256xf32, #tpu.memory_space<hbm>>
    %dma_wait3A_312 = tpu.memref_slice %arg7[%add3A_296] : memref<16384xf32, #tpu.memory_space<hbm>> -> memref<256xf32, #tpu.memory_space<hbm>>
    %dma_wait3A_313 = arith.constant 256 : i32
    %dma_wait3A_314 = tpu.memref_slice %arg10[%dma_wait3A_313] : memref<512xf32, #tpu.memory_space<vmem>> -> memref<256xf32, #tpu.memory_space<vmem>>
    tpu.wait_dma2 semaphore(%arg15 : memref<!tpu.dma_semaphore, #tpu.memory_space<semaphore_mem>>) src(%dma_wait3A_314 : memref<256xf32, #tpu.memory_space<vmem>>) dst(%dma_wait3A_312 : memref<256xf32, #tpu.memory_space<hbm>>)
    return
  }
}

</mosaic_0001>

<sc_bundles>
// kernel: kernel.3.cloned.1.call-start
scs
__scs_entry_jumppad:
0x0: {  	(pc) =	sbr.rel $0x88, $3  }
0x1: {  	(tag) =	ssettag $0x0;
	lr =	simm.s32 $0x1  }
0x2: {  	[smem:$0x3F9C] =	sst lr;
	_ =	strace $0xD0000000  }
0x3: {  	_ = 	snop  }
0x4: {  	_ = 	snop  }
0x5: {  	_ = 	snop  }
0x6: {  	_ = 	snop  }
0x7: {  	_ = 	snop  }
__scs_overlays_trampoline_lowered:
0x8: {  	[smem:$0x3FAB] =	sst s0  }
0x9: {  	[smem:$0x3FAC] =	sst s1  }
0xa: {  	[smem:$0x3FAD] =	sst s2  }
0xb: {  	[smem:$0x3FAE] =	sst s3  }
0xc: {  	[smem:$0x3FAF] =	sst s4  }
0xd: {  	[smem:$0x3FB0] =	sst s5  }
0xe: {  	[smem:$0x3FB1] =	sst s6  }
0xf: {  	[smem:$0x3FB2] =	sst s7  }
0x10: {  	[smem:$0x3FB3] =	sst s8  }
0x11: {  	[smem:$0x3FB4] =	sst s9;
	s0 =	simm.s32 @!p0 $0x0  }
0x12: {  	s1 =	sld [smem:$0x3F9A];
	s0 =	simm.s32 @p0 $0x1  }
0x13: {  	[smem:$0x3FB5] =	sst s0;
	s0 =	simm.s32 @!p1 $0x0  }
0x14: {  	s2 =	sld [smem:$0x3F99];
	s0 =	simm.s32 @p1 $0x1  }
0x15: {  	[smem:$0x3FB6] =	sst s0;
	s0 =	simm.s32 @!p2 $0x0  }
0x16: {  	s3 =	sld [smem:$0x3FDB];
	s0 =	simm.s32 @p2 $0x1  }
0x17: {  	s4 =	simm.s32 $0x1BF5;
	[smem:$0x3FB8] =	sst s0  }
0x18: {  	s0 =	sld [smem:$0x3F9B];
	_ =	swait.ge [sflag:s4], $0x0  }
0x19: {  	s7 =	sld [smem:$0x3F9C]  }
0x1a: {  	s8 =	sadd.s32 $0xFFFFE003, lr  }
0x1b: {  	s9 =	sadd.s32 $0xFFFFFEF7, lr;
	s5 =	simm.s32 $0xFFFFFFFF;
	p2 =	slt.u32 s8, $0xFFFFF086  }
0x1c: {  	p1 =	slt.u32 s9, $0xF7A;
	s5 =	simm.s32 @!p2 $0x0  }
0x1d: {  	s5 =	simm.s32 @p1 $0x1;
	p0 =	seq.s32 s7, s2  }
0x1e: {  	s7 =	smul.u32 @!p0 $0xF7A, s2;
	p2 =	seq.s32 @!p0 s5, $0x0  }
0x1f: {  	s9 =	smul.u32 $0xF7A, s1;
	s8 =	simm.s32 @!p0 $0x1BF5;
	p2 =	por !p2, p0  }
0x20: {  	[sflag:s8] =	ssyncset.s32 @!p0 $0xFFFFF086;
	s6 =	sadd.s32 @!p0 s3, s7;
	s7 =	simm.s32 @!p0 $0x108  }
0x21: {  	s3 =	sadd.s32 s3, s9;
	s6 =	sadd.s32 @!p0 $0x88, s6;
	s7 =	simm.s32 @p2 $0x1082  }
0x22: {  	[simem:s7], [sflag:s8] =	dma.local @!p0 [hbm:s6], $0xF7A  }
0x23: {  	s9 =	sor.u32 $0xD0000000, s2;
	s6 =	simm.s32 $0x108;
	_ =	swait.ge @!p0 [sflag:s8], $0x0  }
0x24: {  	s3 =	sadd.s32 $0x88, s3;
	s6 =	simm.s32 @!p1 $0x1082;
	[sflag:s4] =	ssyncset.s32 $0xFFFFF086  }
0x25: {  	[simem:s6], [sflag:s4] =	dma.local [hbm:s3], $0xF7A  }
0x26: {  	[smem:$0x3F9C] =	sst s1;
	(tag) =	ssettag s2;
	_ =	strace s9  }
0x27: {  	s1 =	sld [smem:$0x3FAC]  }
0x28: {  	s2 =	sld [smem:$0x3FAD]  }
0x29: {  	s4 =	sld [smem:$0x3FAF]  }
0x2a: {  	p0 =	seq.s32 s5, $0x0;
	s5 =	sld [smem:$0x3FB0]  }
0x2b: {  	s6 =	sld [smem:$0x3FB1]  }
0x2c: {  	s7 =	sld [smem:$0x3FB2]  }
0x2d: {  	s3 =	simm.s32 $0x108;
	s8 =	sld [smem:$0x3FB3]  }
0x2e: {  	s3 =	simm.s32 @!p0 $0x1082;
	s9 =	sld [smem:$0x3FB4]  }
0x2f: {  	lr =	sadd.s32 s0, s3;
	s0 =	sld [smem:$0x3FAB]  }
0x30: {  	s3 =	sld [smem:$0x3FAE]  }
0x31: {  	[smem:$0x3FB7] =	sst s10  }
0x32: {  	s10 =	sld [smem:$0x3FB5];
	_ =	sdelay $0x3  }
0x33: {  	p0 =	seq.s32 s10, $0x1;
	s10 =	sld [smem:$0x3FB7];
	_ =	sdelay $0x3  }
0x34: {  	[smem:$0x3FB7] =	sst s10  }
0x35: {  	s10 =	sld [smem:$0x3FB6];
	_ =	sdelay $0x3  }
0x36: {  	p1 =	seq.s32 s10, $0x1;
	s10 =	sld [smem:$0x3FB7];
	_ =	sdelay $0x3  }
0x37: {  	[smem:$0x3FB7] =	sst s10  }
0x38: {  	s10 =	sld [smem:$0x3FB8]  }
0x39: {  	_ = 	snop;
	(pc) =	sbr.ind lr, $3  }
0x3a: {  	_ = 	snop  }
0x3b: {  	_ = 	snop  }
0x3c: {  	p2 =	seq.s32 s10, $0x1;
	s10 =	sld [smem:$0x3FB7]  }
0x3d: {  	_ =	shalt  }
0x3e: {  	_ =	shalt  }
0x3f: {  	_ =	shalt  }
0x40: {  	_ =	shalt  }
0x41: {  	_ =	shalt  }
0x42: {  	_ =	shalt  }
0x43: {  	_ =	shalt  }
0x44: {  	_ =	shalt  }
0x45: {  	_ =	shalt  }
0x46: {  	_ =	shalt  }
0x47: {  	_ =	shalt  }
0x48: {  	_ =	shalt  }
0x49: {  	_ =	shalt  }
0x4a: {  	_ =	shalt  }
0x4b: {  	_ =	shalt  }
0x4c: {  	_ =	shalt  }
0x4d: {  	_ =	shalt  }
0x4e: {  	_ =	shalt  }
0x4f: {  	_ =	shalt  }
0x50: {  	_ =	shalt  }
0x51: {  	_ =	shalt  }
0x52: {  	_ =	shalt  }
0x53: {  	_ =	shalt  }
0x54: {  	_ =	shalt  }
0x55: {  	_ =	shalt  }
0x56: {  	_ =	shalt  }
0x57: {  	_ =	shalt  }
0x58: {  	_ =	shalt  }
0x59: {  	_ =	shalt  }
0x5a: {  	_ =	shalt  }
0x5b: {  	_ =	shalt  }
0x5c: {  	_ =	shalt  }
0x5d: {  	_ =	shalt  }
0x5e: {  	_ =	shalt  }
0x5f: {  	_ =	shalt  }
0x60: {  	_ =	shalt  }
0x61: {  	_ =	shalt  }
0x62: {  	_ =	shalt  }
0x63: {  	_ =	shalt  }
0x64: {  	_ =	shalt  }
0x65: {  	_ =	shalt  }
0x66: {  	_ =	shalt  }
0x67: {  	_ =	shalt  }
0x68: {  	_ =	shalt  }
0x69: {  	_ =	shalt  }
0x6a: {  	_ =	shalt  }
0x6b: {  	_ =	shalt  }
0x6c: {  	_ =	shalt  }
0x6d: {  	_ =	shalt  }
0x6e: {  	_ =	shalt  }
0x6f: {  	_ =	shalt  }
0x70: {  	_ =	shalt  }
0x71: {  	_ =	shalt  }
0x72: {  	_ =	shalt  }
0x73: {  	_ =	shalt  }
0x74: {  	_ =	shalt  }
0x75: {  	_ =	shalt  }
0x76: {  	_ =	shalt  }
0x77: {  	_ =	shalt  }
0x78: {  	_ =	shalt  }
0x79: {  	_ =	shalt  }
0x7a: {  	_ =	shalt  }
0x7b: {  	_ =	shalt  }
0x7c: {  	_ =	shalt  }
0x7d: {  	_ =	shalt  }
0x7e: {  	_ =	shalt  }
0x7f: {  	_ =	shalt  }
0x80: {  	_ =	shalt  }
0x81: {  	_ =	shalt  }
0x82: {  	_ =	shalt  }
0x83: {  	_ =	shalt  }
0x84: {  	_ =	shalt  }
0x85: {  	_ =	shalt  }
0x86: {  	_ =	shalt  }
0x87: {  	_ =	shalt  }
.Lfunc_end0:
.L_simem_size_0:
called_computation_lowered:
.L_overlay_start_0:
0x88: {  	s2 =	sld [smem:$0x3FD9]  }
0x89: {  	s3 =	sld [smem:$0x3FFE];
	_ =	sdelay $0x1  }
0x8a: {  	s1 =	srdreg.scid  }
0x8b: {  	s0 =	sand.u32 $0x1, s1  }
0x8c: {  	s17 =	sshll.u32 s0, $0xA;
	s2 =	sadd.s32 s3, s2  }
0x8d: {  	s2 =	sadd.s32 s2, s17  }
0x8e: {  	[smem:$0x3FC3] =	sst s2  }
0x8f: {  	_ = 	snop  }
0x90: {  	s2 =	sld [smem:$0x3FC9]  }
0x91: {  	s18 =	sld [smem:$0x3FC8]  }
0x92: {  	s4 =	sld [smem:$0x3FC7]  }
0x93: {  	s5 =	sld [smem:$0x3FC6]  }
0x94: {  	s6 =	sld [smem:$0x3FD0];
	(tm) =	ssettm $0x1  }
0x95: {  	s7 =	sld [smem:$0x3FFB];
	_ =	sdelay $0x3  }
0x96: {  	_ =	strace s7  }
0x97: {  	s7 =	sld [smem:$0x3FFC];
	_ =	sdelay $0x3  }
0x98: {  	_ =	strace s7  }
0x99: {  	s7 =	sld [smem:$0x3FFD];
	_ =	sdelay $0x3  }
0x9a: {  	_ =	strace s7  }
0x9b: {  	_ =	strace $0x8FFFFFFF  }
0x9c: {  	s19 =	sld [smem:$0x3FDB];
	_ =	sdelay $0x1  }
0x9d: {  	s8 =	simm.s32 $_scs_section_size  }
0x9e: {  	s9 =	simm.s32 $_size__tile_overlayer_lowered;
	s10 =	simm.s32 $_tile_overlayer_lowered  }
0x9f: {  	s22 =	simm.s32 $0x1BFF;
	s21 =	sshll.u32 s10, $0x1;
	s7 =	sadd.s32 s8, s19  }
0xa0: {  	s11 =	simm.s32 $0x0;
	s20 =	sshll.u32 s9, $0x1;
	s9 =	sadd.s32 s21, s7  }
0xa1: {  	[timem:s11], [sflag:s22] =	dma.local [hbm:s9], s20  }
0xa2: {  	_ =	swait.ge [sflag:s22], s20  }
0xa3: {  	s8 =	ssub.s32 $0x0, s20;
	[sflag:s22] =	ssyncset.done $0x0  }
0xa4: {  	[sflag:s22] =	ssyncadd.s32 s8;
	_ =	sdelay $0x1  }
0xa5: {  	s23 =	simm.s32 $0x1B8B  }
0xa6: {  	_ =	swait.ge [sflag:s23], $0x1  }
0xa7: {  	[sflag:s23] =	ssyncset.done $0x0  }
0xa8: {  	s25 =	simm.s32 $0x1B8E;
	s24 =	sld [smem:$0x3FFE];
	[sflag:s23] =	ssyncadd.s32 $0xFFFFFFFF  }
0xa9: {  	s26 =	simm.s32 $execute0_lowered;
	[smem:$0x3FD2] =	sst s25  }
0xaa: {  	s9 =	sshll.u32 s26, $0x1;
	_ =	strace $0x80000046;
	[dreg:$0x1] =	wrdreg $0xFFFFFFFF  }
0xab: {  	s28 =	simm.s32 $_size_execute0_lowered;
	s7 =	sadd.s32 s7, s9;
	[dreg:$0x0] =	wrdreg $0x0  }
0xac: {  	s9 =	sshll.u32 s28, $0x1;
	[dreg:$0x2] =	wrdreg s7  }
0xad: {  	[dreg:$0x3] =	wrdreg s9  }
0xae: {  	[dreg:$0x4] =	wrdreg $0xC0  }
0xaf: {  	_ =	task [dreg:s11], $0x5FFFF  }
0xb0: {  	[dreg:$0x1] =	wrdreg $0xFFFFFFFF  }
0xb1: {  	[dreg:$0x0] =	wrdreg $0x60  }
0xb2: {  	[dreg:$0x2] =	wrdreg s2  }
0xb3: {  	[dreg:$0x3] =	wrdreg s18  }
0xb4: {  	[dreg:$0x4] =	wrdreg s4  }
0xb5: {  	[dreg:$0x5] =	wrdreg s5  }
0xb6: {  	[dreg:$0x6] =	wrdreg s24  }
0xb7: {  	[dreg:$0x7] =	wrdreg s6  }
0xb8: {  	[dreg:$0x8] =	wrdreg $0x9  }
0xb9: {  	_ =	task.clear_ibuf [dreg:s11], $0x9FFFF;
	_ =	strace $0x90000046  }
0xba: {  	s29 =	simm.s32 $0x9;
	_ =	strace $0x80000048  }
0xbb: {  	_ =	swait.ge [sflag:s29], $0x1  }
0xbc: {  	[sflag:s29] =	ssyncadd.s32 $0xFFFFFFFF  }
0xbd: {  	_ =	strace $0x90000048  }
0xbe: {  	_ =	sfence  }
0xbf: {  	s30 =	sld [smem:$0x0];
	_ =	sdelay $0x2  }
0xc0: {  	s31 =	sshll.u32 s1, $0xD;
	s1 =	sshrl.u32 s1, $0x2  }
0xc1: {  	s3 =	sand.u32 $0x4000, s31;
	s1 =	sadd.s32 s1, s30  }
0xc2: {  	s0 =	sor.u32 s3, s0;
	s1 =	sshll.u32 s1, $0x11  }
0xc3: {  	s0 =	sor.u32 s1, s0  }
0xc4: {  	s0 =	sadd.s32 $0x8F2B, s0  }
0xc5: {  	[sflag:s0] =	ssyncadd.remote.s32 $0x1  }
0xc6: {  	_ =	sfence.sel $0xFFFF  }
0xc7: {  	[dreg:$0x0] =	wrdreg $0xFFFFFFFF;
	(pc) =	sbr.abs _section_cstart, $3  }
0xc8: {  	[dreg:$0x1] =	wrdreg $0xFFFFFFFF  }
0xc9: {  	_ =	task.clear_ibuf [dreg:s11], $0x2FFFF;
	_ =	strace $0x9FFFFFFF  }
0xca: {  	(tm) =	ssettm $0x7FFFFFFF  }
0xcb: {  	_ =	shalt  }
tec
execute0_lowered:
.L_overlay_start_1:
0x0: {  	(tag) =	ssettag $0x1  }
0x1: {  	s6 =	rddreg [dreg:$0x0]  }
0x2: {  	s8 =	rddreg [dreg:$0x1]  }
0x3: {  	s1 =	rddreg [dreg:$0x2]  }
0x4: {  	s2 =	rddreg [dreg:$0x3]  }
0x5: {  	s5 =	rddreg [dreg:$0x4]  }
0x6: {  	s7 =	rddreg [dreg:$0x5]  }
0x7: {  	s0 =	rddreg [dreg:$0x6]  }
0x8: {  	s4 =	simm.s32 $0x0;
	s9 =	srdreg.scid;
	s3 =	stileid.u32  }
0x9: {  	s13 =	simm.s32 $0x4;
	s14 =	simm.s32 $0x3;
	s15 =	simm.s32 $0x400  }
0xa: {  	s16 =	simm.s32 $0x600;
	s17 =	simm.s32 $0x1;
	s18 =	simm.s32 $0x2  }
0xb: {  	s19 =	simm.s32 $0x500;
	[smem:$0x7FF] =	sst s4;
	s9 =	sand.u32 $0x1, s9  }
0xc: {  	s11 =	sshll.u32 s3, $0x7;
	s5 =	sadd.s32 $0x400, s5;
	s10 =	ssub.s32 $0x2, s9  }
0xd: {  	_ =	strace $0x80000047;
	s9 =	sshll.u32 s9, $0x6;
	s12 =	sshrl.u32 s10, $0x1  }
0xe: {  	s9 =	sor.u32 s9, s11;
	s11 =	simm.s32 $0x200;
	s10 =	ssub.s32 s10, s12  }
0xf: {  	s6 =	sadd.s32 s6, s9;
	s7 =	sadd.s32 s7, s9;
	s8 =	sadd.s32 s8, s9  }
0x10: {  	s12 =	simm.s32 $0x800;
	s9 =	sadd.s32 $0x20, s7;
	s10 =	smax.u32 s10, $0x1  }
.LBB2_1:
0x11: {  	[tilespmem:s4], [sflag:$0x3] =	stream.linear.gather [hbm4b:s6+s4], $0x200, $0x38;
	[tilespmem:$0x880] =	vst v63  }
0x12: {  	_ = 	snop  }
0x13: {  	[tilespmem:s11], [sflag:$0x3] =	stream.linear.gather [hbm4b:s8+s4], $0x200, $0x38;
	[tilespmem:$0x880] =	vst v63  }
0x14: {  	_ = 	snop  }
0x15: {  	[tilespmem:s12], [sflag:$0x4] =	stream.linear.gather [hbm4b:s5+s4], $0x80, $0x38;
	[tilespmem:$0x880] =	vst v63  }
0x16: {  	_ =	swait.ge [sflag:s13], $0x80  }
0x17: {  	[sflag:s13] =	ssyncset.done $0x0  }
0x18: {  	[sflag:s13] =	ssyncadd.s32 $0xFFFFFF80  }
0x19: {  	_ =	swait.ge [sflag:s14], $0x200  }
0x1a: {  	[sflag:s14] =	ssyncset.done $0x0  }
0x1b: {  	[sflag:s14] =	ssyncadd.s32 $0xFFFFFE00  }
0x1c: {  	[tilespmem:s15], [sflag:$0x1] =	stream.indirect.gather [hbm4b:s1+s11], $0x1, s4, s11, $0xb8;
	[tilespmem:$0x880] =	vst v63  }
0x1d: {  	_ =	swait.ge [sflag:s14], $0x200  }
0x1e: {  	[sflag:s14] =	ssyncset.done $0x0  }
0x1f: {  	[sflag:s14] =	ssyncadd.s32 $0xFFFFFE00  }
0x20: {  	[tilespmem:s16], [sflag:$0x2] =	stream.indirect.gather [hbm4b:s2+s11], $0x1, s11, s11, $0xb8;
	[tilespmem:$0x880] =	vst v63  }
0x21: {  	v0 =	vld [tilespmem:$0x800];
	_ =	swait.ge [sflag:s17], $0x200  }
0x22: {  	[sflag:s17] =	ssyncset.done $0x0  }
0x23: {  	[sflag:s17] =	ssyncadd.s32 $0xFFFFFE00  }
0x24: {  	_ =	swait.ge [sflag:s18], $0x200  }
0x25: {  	[sflag:s18] =	ssyncset.done $0x0  }
0x26: {  	[sflag:s18] =	ssyncadd.s32 $0xFFFFFE00  }
0x27: {  	v1 =	vld [tilespmem:$0x400]  }
0x28: {  	v2 =	vld [tilespmem:$0x600]  }
0x29: {  	v3 =	vld [tilespmem:$0x410]  }
0x2a: {  	v4 =	vld [tilespmem:$0x610]  }
0x2b: {  	v5 =	vld [tilespmem:$0x420]  }
0x2c: {  	v6 =	vld [tilespmem:$0x620]  }
0x2d: {  	v7 =	vld [tilespmem:$0x430]  }
0x2e: {  	v8 =	vld [tilespmem:$0x630]  }
0x2f: {  	v9 =	vld [tilespmem:$0x440]  }
0x30: {  	v10 =	vld [tilespmem:$0x640]  }
0x31: {  	v11 =	vld [tilespmem:$0x450]  }
0x32: {  	v12 =	vld [tilespmem:$0x650]  }
0x33: {  	v13 =	vld [tilespmem:$0x460]  }
0x34: {  	v14 =	vld [tilespmem:$0x660]  }
0x35: {  	v15 =	vld [tilespmem:$0x470]  }
0x36: {  	v16 =	vld [tilespmem:$0x670]  }
0x37: {  	v17 =	vld [tilespmem:$0x480]  }
0x38: {  	v18 =	vld [tilespmem:$0x680]  }
0x39: {  	v19 =	vld [tilespmem:$0x490]  }
0x3a: {  	v20 =	vld [tilespmem:$0x690]  }
0x3b: {  	v21 =	vld [tilespmem:$0x4A0]  }
0x3c: {  	v59 =	vld [tilespmem:$0x6A0];
	v1 =	vadd.f32 v2, v1  }
0x3d: {  	v60 =	vld [tilespmem:$0x4B0];
	v3 =	vadd.f32 v4, v3  }
0x3e: {  	v61 =	vld [tilespmem:$0x6B0];
	v5 =	vadd.f32 v6, v5;
	v1 =	vadd.f32 v1, v0  }
0x3f: {  	v62 =	vld [tilespmem:$0x4C0];
	v7 =	vadd.f32 v8, v7;
	v3 =	vadd.f32 v3, v0  }
0x40: {  	v23 =	vld [tilespmem:$0x6C0];
	v22 =	vadd.f32 v10, v9;
	v63 =	vadd.f32 v5, v0;
	[tilespmem:$0x400] =	vst v1  }
0x41: {  	v26 =	vld [tilespmem:$0x4D0];
	v25 =	vadd.f32 v12, v11;
	v24 =	vadd.f32 v7, v0;
	[tilespmem:$0x410] =	vst v3  }
0x42: {  	v29 =	vld [tilespmem:$0x6D0];
	v28 =	vadd.f32 v14, v13;
	v27 =	vadd.f32 v22, v0;
	[tilespmem:$0x420] =	vst v63  }
0x43: {  	v32 =	vld [tilespmem:$0x4E0];
	v31 =	vadd.f32 v16, v15;
	v30 =	vadd.f32 v25, v0;
	[tilespmem:$0x430] =	vst v24  }
0x44: {  	v35 =	vld [tilespmem:$0x6E0];
	v34 =	vadd.f32 v18, v17;
	v33 =	vadd.f32 v28, v0;
	[tilespmem:$0x440] =	vst v27  }
0x45: {  	v38 =	vld [tilespmem:$0x4F0];
	v37 =	vadd.f32 v20, v19;
	v36 =	vadd.f32 v31, v0;
	[tilespmem:$0x450] =	vst v30  }
0x46: {  	v40 =	vld [tilespmem:$0x6F0];
	v2 =	vadd.f32 v59, v21;
	v39 =	vadd.f32 v34, v0;
	[tilespmem:$0x460] =	vst v33  }
0x47: {  	v4 =	vadd.f32 v61, v60;
	v41 =	vadd.f32 v37, v0;
	[tilespmem:$0x470] =	vst v36  }
0x48: {  	v43 =	vadd.f32 v23, v62;
	v42 =	vadd.f32 v2, v0;
	[tilespmem:$0x480] =	vst v39  }
0x49: {  	v45 =	vadd.f32 v29, v26;
	v44 =	vadd.f32 v4, v0;
	[tilespmem:$0x490] =	vst v41  }
0x4a: {  	v47 =	vadd.f32 v35, v32;
	v46 =	vadd.f32 v43, v0;
	[tilespmem:$0x4A0] =	vst v42  }
0x4b: {  	v49 =	vadd.f32 v40, v38;
	v48 =	vadd.f32 v45, v0;
	[tilespmem:$0x4B0] =	vst v44  }
0x4c: {  	v50 =	vadd.f32 v47, v0;
	[tilespmem:$0x4C0] =	vst v46  }
0x4d: {  	v51 =	vadd.f32 v49, v0;
	[tilespmem:$0x4D0] =	vst v48  }
0x4e: {  	[tilespmem:$0x4E0] =	vst v50  }
0x4f: {  	[tilespmem:$0x4F0] =	vst v51  }
0x50: {  	[hbm4b:s7+s4] =	stream.linear.scatter [tilespmem:s15], [sflag:$0x3], $0x100, $0x38;
	[tilespmem:$0x880] =	vst v63  }
0x51: {  	v52 =	vld [tilespmem:$0x500]  }
0x52: {  	v53 =	vld [tilespmem:$0x700]  }
0x53: {  	v54 =	vld [tilespmem:$0x510]  }
0x54: {  	v55 =	vld [tilespmem:$0x710]  }
0x55: {  	v56 =	vld [tilespmem:$0x520]  }
0x56: {  	v57 =	vld [tilespmem:$0x720]  }
0x57: {  	v58 =	vld [tilespmem:$0x530]  }
0x58: {  	v59 =	vld [tilespmem:$0x730]  }
0x59: {  	v60 =	vld [tilespmem:$0x540]  }
0x5a: {  	v61 =	vld [tilespmem:$0x740]  }
0x5b: {  	v62 =	vld [tilespmem:$0x550]  }
0x5c: {  	v63 =	vld [tilespmem:$0x750]  }
0x5d: {  	v24 =	vld [tilespmem:$0x560]  }
0x5e: {  	v25 =	vld [tilespmem:$0x760]  }
0x5f: {  	v26 =	vld [tilespmem:$0x570]  }
0x60: {  	v27 =	vld [tilespmem:$0x770]  }
0x61: {  	v28 =	vld [tilespmem:$0x580]  }
0x62: {  	v29 =	vld [tilespmem:$0x780]  }
0x63: {  	v30 =	vld [tilespmem:$0x590]  }
0x64: {  	v31 =	vld [tilespmem:$0x790]  }
0x65: {  	v32 =	vld [tilespmem:$0x5A0]  }
0x66: {  	v33 =	vld [tilespmem:$0x7A0];
	v1 =	vadd.f32 v53, v52  }
0x67: {  	v34 =	vld [tilespmem:$0x5B0];
	v3 =	vadd.f32 v55, v54  }
0x68: {  	v35 =	vld [tilespmem:$0x7B0];
	v5 =	vadd.f32 v57, v56;
	v1 =	vadd.f32 v1, v0  }
0x69: {  	v36 =	vld [tilespmem:$0x5C0];
	v7 =	vadd.f32 v59, v58;
	v3 =	vadd.f32 v3, v0  }
0x6a: {  	v42 =	vld [tilespmem:$0x5D0];
	v38 =	vadd.f32 v61, v60;
	v37 =	vadd.f32 v5, v0;
	[tilespmem:$0x500] =	vst v1  }
0x6b: {  	v45 =	vld [tilespmem:$0x7D0];
	v41 =	vadd.f32 v63, v62;
	v40 =	vadd.f32 v7, v0;
	[tilespmem:$0x510] =	vst v3  }
0x6c: {  	v48 =	vld [tilespmem:$0x5E0];
	v44 =	vadd.f32 v25, v24;
	v43 =	vadd.f32 v38, v0;
	[tilespmem:$0x520] =	vst v37  }
0x6d: {  	v51 =	vld [tilespmem:$0x7E0];
	v47 =	vadd.f32 v27, v26;
	v46 =	vadd.f32 v41, v0;
	[tilespmem:$0x530] =	vst v40  }
0x6e: {  	v39 =	vld [tilespmem:$0x7C0];
	v50 =	vadd.f32 v29, v28;
	v49 =	vadd.f32 v44, v0;
	[tilespmem:$0x540] =	vst v43  }
0x6f: {  	v53 =	vadd.f32 v31, v30;
	v54 =	vld [tilespmem:$0x5F0];
	v52 =	vadd.f32 v47, v0;
	[tilespmem:$0x550] =	vst v46  }
0x70: {  	v2 =	vadd.f32 v33, v32;
	v56 =	vld [tilespmem:$0x7F0];
	v55 =	vadd.f32 v50, v0;
	[tilespmem:$0x560] =	vst v49  }
0x71: {  	v60 =	vadd.f32 v45, v42;
	v58 =	vadd.f32 v53, v0;
	[tilespmem:$0x570] =	vst v52  }
0x72: {  	v61 =	vadd.f32 v51, v48;
	v2 =	vadd.f32 v2, v0;
	[tilespmem:$0x580] =	vst v55  }
0x73: {  	v57 =	vadd.f32 v35, v34;
	v4 =	vadd.f32 v60, v0;
	[tilespmem:$0x590] =	vst v58  }
0x74: {  	v59 =	vadd.f32 v39, v36;
	v63 =	vadd.f32 v61, v0;
	[tilespmem:$0x5A0] =	vst v2  }
0x75: {  	v3 =	vadd.f32 v57, v0;
	[tilespmem:$0x5D0] =	vst v4;
	v62 =	vadd.f32 v56, v54  }
0x76: {  	v1 =	vadd.f32 v59, v0;
	[tilespmem:$0x5E0] =	vst v63  }
0x77: {  	[tilespmem:$0x5B0] =	vst v3;
	v0 =	vadd.f32 v62, v0  }
0x78: {  	[tilespmem:$0x5C0] =	vst v1  }
0x79: {  	[tilespmem:$0x5F0] =	vst v0  }
0x7a: {  	[hbm4b:s9+s4] =	stream.linear.scatter [tilespmem:s19], [sflag:$0x3], $0x100, $0x38;
	[tilespmem:$0x880] =	vst v63  }
0x7b: {  	p0 =	sne.s32 s10, $0x1;
	_ =	swait.ge [sflag:s14], $0x100  }
.Ltmp0:
0x7c: {  	[sflag:s14] =	ssyncset.done $0x0;
	(pc) =	sbr.rel @p0 .LBB2_1-.Ltmp0, $4  }
0x7d: {  	[sflag:s14] =	ssyncadd.s32 $0xFFFFFF00  }
0x7e: {  	_ =	swait.ge [sflag:s14], $0x100  }
0x7f: {  	[sflag:s14] =	ssyncset.done $0x0  }
0x80: {  	s10 =	sadd.s32 $0xFFFFFFFF, s10;
	[sflag:s14] =	ssyncadd.s32 $0xFFFFFF00  }
0x81: {  	_ =	sfence.sel $0x180000  }
0x82: {  	[bflag:$0x0] =	sbarrier.arrive $0xFFFF  }
0x83: {  	p0 =	sne.s32 s3, $0x0;
	_ =	strace $0x90000047  }
0x84: {  	s0 =	sadd.s32 @!p0 $0x100000, s0;
	[bflag:$0x2] =	sbarrier.arrive $0xFFFF  }
0x85: {  	[sflag:s0] =	ssyncadd.tile.s32 @!p0 $0x1;
	_ =	shalt  }
.Lfunc_end2:
_tile_overlayer_lowered:
.L_overlay_start_2:
0x86: {  	(tag) =	ssettag $0x2  }
0x87: {  	s0 =	rddreg [dreg:$0x0];
	s2 =	stileid.u32  }
0x88: {  	s1 =	rddreg [dreg:$0x1];
	p0 =	sne.s32 s2, $0x0  }
0x89: {  	s3 =	rddreg [dreg:$0x2];
	[bflag:$0x3] =	sbarrier.arrive $0xFFFF;
	s2 =	simm.s32 @!p0 $0x1C04  }
0x8a: {  	[timem:s3], [sflag:s2] =	dma.local @!p0 [hbm:s0], s1  }
0x8b: {  	s0 =	simm.s32 @!p0 $0x4  }
0x8c: {  	_ =	swait.ge @!p0 [sflag:s0], s1  }
0x8d: {  	s1 =	ssub.s32 @!p0 $0x0, s1;
	[sflag:s0] =	ssyncset.done @!p0 $0x0  }
0x8e: {  	[sflag:s0] =	ssyncadd.s32 @!p0 s1  }
0x8f: {  	[bflag:$0x3] =	sbarrier.arrive $0xFFFF  }
0x90: {  	_ =	shalt  }

</sc_bundles>
